<compile_context>
chip_gen: v7x
topology: tpu7x:2x2x1
jax: 0.10.2.dev20260603
libtpu: 0.0.44.dev20260713+nightly
codegen_flags: <defaults>
</compile_context>

<pallas_src>
import functools

import jax
import jax.numpy as jnp
from jax import lax
from jax.experimental import pallas as pl
from jax.experimental.pallas import tpu as pltpu
from jax.experimental.pallas import tpu_sc as plsc

VOCAB = 100000
D = 128
HIDDEN = 64
NCLASS = 10
B = 4096
SEQ = 50

NC = 2
NS = 16
NW = NC * NS
RPW = B // NW
RCHUNK = 2
K = RCHUNK * SEQ
NCHUNK = RPW // RCHUNK
ROWS_PER_CORE = B // NC

_mesh = plsc.VectorSubcoreMesh(
    core_axis_name="c", subcore_axis_name="s", num_cores=NC, num_subcores=NS
)


@functools.partial(
    pl.kernel,
    out_type=jax.ShapeDtypeStruct((B, D), jnp.float32),
    mesh=_mesh,
    scratch_types=dict(
        idx_v=pltpu.VMEM((NCHUNK, K), jnp.int32),
        sidx_v=pltpu.VMEM((NCHUNK, K), jnp.int32),
        buf=pltpu.VMEM((K, D), jnp.float32),
        zbuf=pltpu.VMEM((RPW, D), jnp.float32),
        acc_sh=pltpu.VMEM_SHARED((ROWS_PER_CORE, D), jnp.float32),
        gsem=pltpu.SemaphoreType.DMA,
    ),
)
def _pool_sum(idx_hbm, sidx_hbm, table_hbm, out_hbm,
              idx_v, sidx_v, buf, zbuf, acc_sh, gsem):
    cid = lax.axis_index("c")
    sid = lax.axis_index("s")
    wid = cid * NS + sid

    pltpu.sync_copy(idx_hbm.at[wid], idx_v)
    pltpu.sync_copy(sidx_hbm.at[wid], sidx_v)

    def _zero(i, _):
        for dd in range(D // 16):
            zbuf[i, pl.ds(dd * 16, 16)] = jnp.zeros((16,), jnp.float32)
        return 0

    lax.fori_loop(0, RPW, _zero, 0)
    pltpu.sync_copy(zbuf, acc_sh.at[pl.ds(sid * RPW, RPW)])

    def _chunk(c, _):
        pltpu.async_copy(table_hbm.at[idx_v.at[c]], buf, gsem).wait()
        pltpu.sync_copy(buf, acc_sh.at[sidx_v.at[c]], add=True)
        return 0

    lax.fori_loop(0, NCHUNK, _chunk, 0)

    pltpu.sync_copy(acc_sh.at[pl.ds(sid * RPW, RPW)],
                    out_hbm.at[pl.ds(wid * RPW, RPW)])


def _mlp_body(p_ref, w1_ref, b1_ref, w2_ref, b2_ref, o_ref):
    h = jnp.dot(p_ref[...], w1_ref[...], preferred_element_type=jnp.float32)
    h = jnp.maximum(h + b1_ref[...], 0.0)
    o_ref[...] = (
        jnp.dot(h, w2_ref[...], preferred_element_type=jnp.float32)
        + b2_ref[...]
    )


def _mlp(pooled, w1, b1, w2, b2):
    return pl.pallas_call(
        _mlp_body,
        out_shape=jax.ShapeDtypeStruct((B, NCLASS), jnp.float32),
    )(pooled, w1, b1, w2, b2)


def kernel(x, table, W1, b1, W2, b2):
    idx = x.astype(jnp.int32).reshape(NW, NCHUNK, K)
    w_ = jnp.arange(NW, dtype=jnp.int32).reshape(NW, 1, 1) % NS
    c_ = jnp.arange(NCHUNK, dtype=jnp.int32).reshape(1, NCHUNK, 1)
    j_ = jnp.arange(K, dtype=jnp.int32).reshape(1, 1, K)
    sidx = w_ * RPW + c_ * RCHUNK + j_ // SEQ

    pooled_sum = _pool_sum(idx, sidx, table)
    return _mlp(pooled_sum, W1 * (1.0 / SEQ), b1.reshape(1, HIDDEN),
                W2, b2.reshape(1, NCLASS))

# --- scband reference (transcript-rebuilt; emitter-appended) ---
"""Pipeline reference for scband-text-classifier-68865505624086 (READ-ONLY COPY).

The authoritative reference and input builder live on the scoring server;
editing this copy changes nothing except your own understanding.
"""

import jax, jax.numpy as jnp
import numpy as np

VOCAB = 100000
EMBED_DIM = 128
HIDDEN = 64
NBR_CLASS = 10
BATCH = 4096
SEQ = 50


def setup_inputs(seed: int = 0) -> dict:
    key = jax.random.key(seed)
    k_x, k_tab, k_w1, k_b1, k_w2, k_b2 = jax.random.split(key, 6)
    x = jax.random.randint(k_x, (BATCH, SEQ), 0, VOCAB, dtype=jnp.int64 if jax.config.jax_enable_x64 else jnp.int32)
    table = jax.random.normal(k_tab, (VOCAB, EMBED_DIM), dtype=jnp.float32)
    # nn.Linear default init ~ U(-1/sqrt(fan_in), 1/sqrt(fan_in)); random normal scaled is fine for a reference
    W1 = jax.random.normal(k_w1, (EMBED_DIM, HIDDEN), dtype=jnp.float32) * (1.0 / np.sqrt(EMBED_DIM))
    b1 = jax.random.normal(k_b1, (HIDDEN,), dtype=jnp.float32) * 0.01
    W2 = jax.random.normal(k_w2, (HIDDEN, NBR_CLASS), dtype=jnp.float32) * (1.0 / np.sqrt(HIDDEN))
    b2 = jax.random.normal(k_b2, (NBR_CLASS,), dtype=jnp.float32) * 0.01
    return {"x": x, "table": table, "W1": W1, "b1": b1, "W2": W2, "b2": b2}


def reference(x, table, W1, b1, W2, b2):
    # mean_embedding: embedding lookup then mean over sequence dim
    emb = jnp.take(table, x, axis=0)           # [B, L, D] gather
    pooled = jnp.mean(emb, axis=1)             # [B, D]
    # classifier: Linear(D, 64) -> ReLU -> Linear(64, nbr_class)
    h = jax.nn.relu(pooled @ W1 + b1)
    logits = h @ W2 + b2
    return logits

if __name__ == "__main__":
    import jax
    _d = setup_inputs()
    print(jax.jit(kernel)(*tuple(_d.values())))

</pallas_src>

<mosaic_0001>
#map = affine_map<(d0, d1) -> (0, 0, 0)>
#map1 = affine_map<(d0, d1) -> (0, 0)>
module attributes {stable_mosaic.version = 14 : i64} {
  func.func @_pool_sum(%arg0: i32, %arg1: i32, %arg2: memref<32x64x100xi32, #tpu.memory_space<hbm>>, %arg3: memref<32x64x100xi32, #tpu.memory_space<hbm>>, %arg4: memref<100000x128xf32, #tpu.memory_space<hbm>>, %arg5: memref<4096x128xf32, #tpu.memory_space<hbm>>, %arg6: memref<2048x128xf32, #tpu.memory_space<vmem_shared>>, %arg7: memref<100x128xf32, #tpu.memory_space<vmem>>, %arg8: memref<!tpu.dma_semaphore, #tpu.memory_space<semaphore_mem>>, %arg9: memref<64x100xi32, #tpu.memory_space<vmem>>, %arg10: memref<64x100xi32, #tpu.memory_space<vmem>>, %arg11: memref<128x128xf32, #tpu.memory_space<vmem>>) attributes {dimension_semantics = [#tpu.dimension_semantics<core_parallel>, #tpu.dimension_semantics<subcore_parallel>], iteration_bounds = array<i64: 2, 16>, scalar_prefetch = 0 : i64, scratch_operands = 6 : i64, tpu.core_type = #tpu.core_type<sc_vector_subcore>, window_params = [{transform_indices = #map}, {transform_indices = #map}, {transform_indices = #map1}, {transform_indices = #map1}]} {
    %mul3A = arith.constant 16 : i32
    %mul3A_0 = arith.muli %arg0, %mul3A : i32
    %add3A = arith.addi %mul3A_0, %arg1 : i32
    "tpu.region"() ({
      %run_scoped3A = tpu.sem_alloc : memref<!tpu.dma_semaphore, #tpu.memory_space<semaphore_mem>>
      %dma_start3A = arith.constant 0 : i32
      %dma_start3A_20 = arith.constant 0 : i32
      %dma_start3A_21 = tpu.memref_slice %arg2[%add3A, %dma_start3A, %dma_start3A_20] : memref<32x64x100xi32, #tpu.memory_space<hbm>> -> memref<1x64x100xi32, #tpu.memory_space<hbm>>
      %dma_start3A_22 = tpu.memref_squeeze %dma_start3A_21 : memref<1x64x100xi32, #tpu.memory_space<hbm>> -> memref<64x100xi32, #tpu.memory_space<hbm>>
      %dma_start3A_23 = arith.constant 0 : i32
      %dma_start3A_24 = arith.constant 0 : i32
      %dma_start3A_25 = tpu.memref_slice %arg2[%add3A, %dma_start3A_23, %dma_start3A_24] : memref<32x64x100xi32, #tpu.memory_space<hbm>> -> memref<1x64x100xi32, #tpu.memory_space<hbm>>
      %dma_start3A_26 = tpu.memref_squeeze %dma_start3A_25 : memref<1x64x100xi32, #tpu.memory_space<hbm>> -> memref<64x100xi32, #tpu.memory_space<hbm>>
      tpu.enqueue_dma source(%dma_start3A_26 : memref<64x100xi32, #tpu.memory_space<hbm>>) target(%arg9 : memref<64x100xi32, #tpu.memory_space<vmem>>) target_semaphore(%run_scoped3A : memref<!tpu.dma_semaphore, #tpu.memory_space<semaphore_mem>>)
      %dma_wait3A = arith.constant 0 : i32
      %dma_wait3A_27 = arith.constant 0 : i32
      %dma_wait3A_28 = tpu.memref_slice %arg2[%add3A, %dma_wait3A, %dma_wait3A_27] : memref<32x64x100xi32, #tpu.memory_space<hbm>> -> memref<1x64x100xi32, #tpu.memory_space<hbm>>
      %dma_wait3A_29 = tpu.memref_squeeze %dma_wait3A_28 : memref<1x64x100xi32, #tpu.memory_space<hbm>> -> memref<64x100xi32, #tpu.memory_space<hbm>>
      %dma_wait3A_30 = arith.constant 0 : i32
      %dma_wait3A_31 = arith.constant 0 : i32
      %dma_wait3A_32 = tpu.memref_slice %arg2[%add3A, %dma_wait3A_30, %dma_wait3A_31] : memref<32x64x100xi32, #tpu.memory_space<hbm>> -> memref<1x64x100xi32, #tpu.memory_space<hbm>>
      %dma_wait3A_33 = tpu.memref_squeeze %dma_wait3A_32 : memref<1x64x100xi32, #tpu.memory_space<hbm>> -> memref<64x100xi32, #tpu.memory_space<hbm>>
      tpu.wait_dma2 semaphore(%run_scoped3A : memref<!tpu.dma_semaphore, #tpu.memory_space<semaphore_mem>>) src(%dma_wait3A_33 : memref<64x100xi32, #tpu.memory_space<hbm>>) dst(%arg9 : memref<64x100xi32, #tpu.memory_space<vmem>>)
      tpu.yield
    }) : () -> ()
    "tpu.region"() ({
      %run_scoped3A = tpu.sem_alloc : memref<!tpu.dma_semaphore, #tpu.memory_space<semaphore_mem>>
      %dma_start3A = arith.constant 0 : i32
      %dma_start3A_20 = arith.constant 0 : i32
      %dma_start3A_21 = tpu.memref_slice %arg3[%add3A, %dma_start3A, %dma_start3A_20] : memref<32x64x100xi32, #tpu.memory_space<hbm>> -> memref<1x64x100xi32, #tpu.memory_space<hbm>>
      %dma_start3A_22 = tpu.memref_squeeze %dma_start3A_21 : memref<1x64x100xi32, #tpu.memory_space<hbm>> -> memref<64x100xi32, #tpu.memory_space<hbm>>
      %dma_start3A_23 = arith.constant 0 : i32
      %dma_start3A_24 = arith.constant 0 : i32
      %dma_start3A_25 = tpu.memref_slice %arg3[%add3A, %dma_start3A_23, %dma_start3A_24] : memref<32x64x100xi32, #tpu.memory_space<hbm>> -> memref<1x64x100xi32, #tpu.memory_space<hbm>>
      %dma_start3A_26 = tpu.memref_squeeze %dma_start3A_25 : memref<1x64x100xi32, #tpu.memory_space<hbm>> -> memref<64x100xi32, #tpu.memory_space<hbm>>
      tpu.enqueue_dma source(%dma_start3A_26 : memref<64x100xi32, #tpu.memory_space<hbm>>) target(%arg10 : memref<64x100xi32, #tpu.memory_space<vmem>>) target_semaphore(%run_scoped3A : memref<!tpu.dma_semaphore, #tpu.memory_space<semaphore_mem>>)
      %dma_wait3A = arith.constant 0 : i32
      %dma_wait3A_27 = arith.constant 0 : i32
      %dma_wait3A_28 = tpu.memref_slice %arg3[%add3A, %dma_wait3A, %dma_wait3A_27] : memref<32x64x100xi32, #tpu.memory_space<hbm>> -> memref<1x64x100xi32, #tpu.memory_space<hbm>>
      %dma_wait3A_29 = tpu.memref_squeeze %dma_wait3A_28 : memref<1x64x100xi32, #tpu.memory_space<hbm>> -> memref<64x100xi32, #tpu.memory_space<hbm>>
      %dma_wait3A_30 = arith.constant 0 : i32
      %dma_wait3A_31 = arith.constant 0 : i32
      %dma_wait3A_32 = tpu.memref_slice %arg3[%add3A, %dma_wait3A_30, %dma_wait3A_31] : memref<32x64x100xi32, #tpu.memory_space<hbm>> -> memref<1x64x100xi32, #tpu.memory_space<hbm>>
      %dma_wait3A_33 = tpu.memref_squeeze %dma_wait3A_32 : memref<1x64x100xi32, #tpu.memory_space<hbm>> -> memref<64x100xi32, #tpu.memory_space<hbm>>
      tpu.wait_dma2 semaphore(%run_scoped3A : memref<!tpu.dma_semaphore, #tpu.memory_space<semaphore_mem>>) src(%dma_wait3A_33 : memref<64x100xi32, #tpu.memory_space<hbm>>) dst(%arg10 : memref<64x100xi32, #tpu.memory_space<vmem>>)
      tpu.yield
    }) : () -> ()
    %scan3A = arith.constant 0 : i32
    %scan3A_1 = arith.constant 0 : i32
    %scan3A_2 = arith.constant 128 : i32
    %scan3A_3 = arith.addi %scan3A_1, %scan3A_2 : i32
    %scan3A_4 = arith.constant 1 : i32
    %scan3A_5 = scf.for %scan3A_20 = %scan3A_1 to %scan3A_3 step %scan3A_4 iter_args(%scan3A_21 = %scan3A) -> (i32)  : i32 {
      %broadcast_in_dim3A = arith.constant 0.000000e+00 : f32
      %broadcast_in_dim3A_22 = vector.broadcast %broadcast_in_dim3A : f32 to vector<16xf32>
      %swap3A = arith.index_cast %scan3A_20 : i32 to index
      %swap3A_23 = arith.constant 0 : index
      %swap3A_24 = tpu.vector_load %arg11[%swap3A, %swap3A_23] {strides = array<i32>} : memref<128x128xf32, #tpu.memory_space<vmem>>, vector<1x16xf32>,
      %swap3A_25 = vector.shape_cast %swap3A_24 : vector<1x16xf32> to vector<16xf32>
      %swap3A_26 = vector.shape_cast %broadcast_in_dim3A_22 : vector<16xf32> to vector<1x16xf32>
      tpu.vector_store %arg11[%swap3A, %swap3A_23], %swap3A_26 {strides = array<i32>} : memref<128x128xf32, #tpu.memory_space<vmem>>, vector<1x16xf32>,
      %broadcast_in_dim3A_27 = arith.constant 0.000000e+00 : f32
      %broadcast_in_dim3A_28 = vector.broadcast %broadcast_in_dim3A_27 : f32 to vector<16xf32>
      %swap3A_29 = arith.index_cast %scan3A_20 : i32 to index
      %swap3A_30 = arith.constant 16 : index
      %swap3A_31 = tpu.vector_load %arg11[%swap3A_29, %swap3A_30] {strides = array<i32>} : memref<128x128xf32, #tpu.memory_space<vmem>>, vector<1x16xf32>,
      %swap3A_32 = vector.shape_cast %swap3A_31 : vector<1x16xf32> to vector<16xf32>
      %swap3A_33 = vector.shape_cast %broadcast_in_dim3A_28 : vector<16xf32> to vector<1x16xf32>
      tpu.vector_store %arg11[%swap3A_29, %swap3A_30], %swap3A_33 {strides = array<i32>} : memref<128x128xf32, #tpu.memory_space<vmem>>, vector<1x16xf32>,
      %broadcast_in_dim3A_34 = arith.constant 0.000000e+00 : f32
      %broadcast_in_dim3A_35 = vector.broadcast %broadcast_in_dim3A_34 : f32 to vector<16xf32>
      %swap3A_36 = arith.index_cast %scan3A_20 : i32 to index
      %swap3A_37 = arith.constant 32 : index
      %swap3A_38 = tpu.vector_load %arg11[%swap3A_36, %swap3A_37] {strides = array<i32>} : memref<128x128xf32, #tpu.memory_space<vmem>>, vector<1x16xf32>,
      %swap3A_39 = vector.shape_cast %swap3A_38 : vector<1x16xf32> to vector<16xf32>
      %swap3A_40 = vector.shape_cast %broadcast_in_dim3A_35 : vector<16xf32> to vector<1x16xf32>
      tpu.vector_store %arg11[%swap3A_36, %swap3A_37], %swap3A_40 {strides = array<i32>} : memref<128x128xf32, #tpu.memory_space<vmem>>, vector<1x16xf32>,
      %broadcast_in_dim3A_41 = arith.constant 0.000000e+00 : f32
      %broadcast_in_dim3A_42 = vector.broadcast %broadcast_in_dim3A_41 : f32 to vector<16xf32>
      %swap3A_43 = arith.index_cast %scan3A_20 : i32 to index
      %swap3A_44 = arith.constant 48 : index
      %swap3A_45 = tpu.vector_load %arg11[%swap3A_43, %swap3A_44] {strides = array<i32>} : memref<128x128xf32, #tpu.memory_space<vmem>>, vector<1x16xf32>,
      %swap3A_46 = vector.shape_cast %swap3A_45 : vector<1x16xf32> to vector<16xf32>
      %swap3A_47 = vector.shape_cast %broadcast_in_dim3A_42 : vector<16xf32> to vector<1x16xf32>
      tpu.vector_store %arg11[%swap3A_43, %swap3A_44], %swap3A_47 {strides = array<i32>} : memref<128x128xf32, #tpu.memory_space<vmem>>, vector<1x16xf32>,
      %broadcast_in_dim3A_48 = arith.constant 0.000000e+00 : f32
      %broadcast_in_dim3A_49 = vector.broadcast %broadcast_in_dim3A_48 : f32 to vector<16xf32>
      %swap3A_50 = arith.index_cast %scan3A_20 : i32 to index
      %swap3A_51 = arith.constant 64 : index
      %swap3A_52 = tpu.vector_load %arg11[%swap3A_50, %swap3A_51] {strides = array<i32>} : memref<128x128xf32, #tpu.memory_space<vmem>>, vector<1x16xf32>,
      %swap3A_53 = vector.shape_cast %swap3A_52 : vector<1x16xf32> to vector<16xf32>
      %swap3A_54 = vector.shape_cast %broadcast_in_dim3A_49 : vector<16xf32> to vector<1x16xf32>
      tpu.vector_store %arg11[%swap3A_50, %swap3A_51], %swap3A_54 {strides = array<i32>} : memref<128x128xf32, #tpu.memory_space<vmem>>, vector<1x16xf32>,
      %broadcast_in_dim3A_55 = arith.constant 0.000000e+00 : f32
      %broadcast_in_dim3A_56 = vector.broadcast %broadcast_in_dim3A_55 : f32 to vector<16xf32>
      %swap3A_57 = arith.index_cast %scan3A_20 : i32 to index
      %swap3A_58 = arith.constant 80 : index
      %swap3A_59 = tpu.vector_load %arg11[%swap3A_57, %swap3A_58] {strides = array<i32>} : memref<128x128xf32, #tpu.memory_space<vmem>>, vector<1x16xf32>,
      %swap3A_60 = vector.shape_cast %swap3A_59 : vector<1x16xf32> to vector<16xf32>
      %swap3A_61 = vector.shape_cast %broadcast_in_dim3A_56 : vector<16xf32> to vector<1x16xf32>
      tpu.vector_store %arg11[%swap3A_57, %swap3A_58], %swap3A_61 {strides = array<i32>} : memref<128x128xf32, #tpu.memory_space<vmem>>, vector<1x16xf32>,
      %broadcast_in_dim3A_62 = arith.constant 0.000000e+00 : f32
      %broadcast_in_dim3A_63 = vector.broadcast %broadcast_in_dim3A_62 : f32 to vector<16xf32>
      %swap3A_64 = arith.index_cast %scan3A_20 : i32 to index
      %swap3A_65 = arith.constant 96 : index
      %swap3A_66 = tpu.vector_load %arg11[%swap3A_64, %swap3A_65] {strides = array<i32>} : memref<128x128xf32, #tpu.memory_space<vmem>>, vector<1x16xf32>,
      %swap3A_67 = vector.shape_cast %swap3A_66 : vector<1x16xf32> to vector<16xf32>
      %swap3A_68 = vector.shape_cast %broadcast_in_dim3A_63 : vector<16xf32> to vector<1x16xf32>
      tpu.vector_store %arg11[%swap3A_64, %swap3A_65], %swap3A_68 {strides = array<i32>} : memref<128x128xf32, #tpu.memory_space<vmem>>, vector<1x16xf32>,
      %broadcast_in_dim3A_69 = arith.constant 0.000000e+00 : f32
      %broadcast_in_dim3A_70 = vector.broadcast %broadcast_in_dim3A_69 : f32 to vector<16xf32>
      %swap3A_71 = arith.index_cast %scan3A_20 : i32 to index
      %swap3A_72 = arith.constant 112 : index
      %swap3A_73 = tpu.vector_load %arg11[%swap3A_71, %swap3A_72] {strides = array<i32>} : memref<128x128xf32, #tpu.memory_space<vmem>>, vector<1x16xf32>,
      %swap3A_74 = vector.shape_cast %swap3A_73 : vector<1x16xf32> to vector<16xf32>
      %swap3A_75 = vector.shape_cast %broadcast_in_dim3A_70 : vector<16xf32> to vector<1x16xf32>
      tpu.vector_store %arg11[%swap3A_71, %swap3A_72], %swap3A_75 {strides = array<i32>} : memref<128x128xf32, #tpu.memory_space<vmem>>, vector<1x16xf32>,
      %scan3A_76 = arith.constant 0 : i32
      scf.yield %scan3A_76 : i32
    }
    %scan3A_6 = arith.constant 128 : i32
    %mul3A_7 = arith.constant 128 : i32
    %mul3A_8 = arith.muli %arg1, %mul3A_7 : i32
    "tpu.region"() ({
      %run_scoped3A = tpu.sem_alloc : memref<!tpu.dma_semaphore, #tpu.memory_space<semaphore_mem>>
      %dma_start3A = arith.constant 0 : i32
      %dma_start3A_20 = tpu.memref_slice %arg6[%mul3A_8, %dma_start3A] : memref<2048x128xf32, #tpu.memory_space<vmem_shared>> -> memref<128x128xf32, #tpu.memory_space<vmem_shared>>
      %dma_start3A_21 = arith.constant 0 : i32
      %dma_start3A_22 = tpu.memref_slice %arg6[%mul3A_8, %dma_start3A_21] : memref<2048x128xf32, #tpu.memory_space<vmem_shared>> -> memref<128x128xf32, #tpu.memory_space<vmem_shared>>
      tpu.enqueue_dma source(%arg11 : memref<128x128xf32, #tpu.memory_space<vmem>>) target(%dma_start3A_22 : memref<128x128xf32, #tpu.memory_space<vmem_shared>>) target_semaphore(%run_scoped3A : memref<!tpu.dma_semaphore, #tpu.memory_space<semaphore_mem>>)
      %dma_wait3A = arith.constant 0 : i32
      %dma_wait3A_23 = tpu.memref_slice %arg6[%mul3A_8, %dma_wait3A] : memref<2048x128xf32, #tpu.memory_space<vmem_shared>> -> memref<128x128xf32, #tpu.memory_space<vmem_shared>>
      %dma_wait3A_24 = arith.constant 0 : i32
      %dma_wait3A_25 = tpu.memref_slice %arg6[%mul3A_8, %dma_wait3A_24] : memref<2048x128xf32, #tpu.memory_space<vmem_shared>> -> memref<128x128xf32, #tpu.memory_space<vmem_shared>>
      tpu.wait_dma2 semaphore(%run_scoped3A : memref<!tpu.dma_semaphore, #tpu.memory_space<semaphore_mem>>) src(%arg11 : memref<128x128xf32, #tpu.memory_space<vmem>>) dst(%dma_wait3A_25 : memref<128x128xf32, #tpu.memory_space<vmem_shared>>)
      tpu.yield
    }) : () -> ()
    %scan3A_9 = arith.constant 0 : i32
    %scan3A_10 = arith.constant 0 : i32
    %scan3A_11 = arith.constant 64 : i32
    %scan3A_12 = arith.addi %scan3A_10, %scan3A_11 : i32
    %scan3A_13 = arith.constant 1 : i32
    %scan3A_14 = scf.for %scan3A_20 = %scan3A_10 to %scan3A_12 step %scan3A_13 iter_args(%scan3A_21 = %scan3A_9) -> (i32)  : i32 {
      %dma_start3A = arith.constant 0 : i32
      %dma_start3A_22 = tpu.memref_slice %arg9[%scan3A_20, %dma_start3A] : memref<64x100xi32, #tpu.memory_space<vmem>> -> memref<1x100xi32, #tpu.memory_space<vmem>>
      %dma_start3A_23 = tpu.memref_squeeze %dma_start3A_22 : memref<1x100xi32, #tpu.memory_space<vmem>> -> memref<100xi32, #tpu.memory_space<vmem>>
      %dma_start3A_24 = arith.constant 0 : i32
      %dma_start3A_25 = arith.constant 0 : i32
      %dma_start3A_26 = tpu.memref_slice %arg4[%dma_start3A_24, %dma_start3A_25] : memref<100000x128xf32, #tpu.memory_space<hbm>> -> memref<100000x128xf32, #tpu.memory_space<hbm>>
      tpu.enqueue_indirect_dma source(%dma_start3A_26 : memref<100000x128xf32, #tpu.memory_space<hbm>>) target(%arg7 : memref<100x128xf32, #tpu.memory_space<vmem>>) offsets(%dma_start3A_23 : memref<100xi32, #tpu.memory_space<vmem>>) semaphore(%arg8 : memref<!tpu.dma_semaphore, #tpu.memory_space<semaphore_mem>>)
      %dma_wait3A = arith.constant 0 : i32
      %dma_wait3A_27 = tpu.memref_slice %arg9[%scan3A_20, %dma_wait3A] : memref<64x100xi32, #tpu.memory_space<vmem>> -> memref<1x100xi32, #tpu.memory_space<vmem>>
      %dma_wait3A_28 = tpu.memref_squeeze %dma_wait3A_27 : memref<1x100xi32, #tpu.memory_space<vmem>> -> memref<100xi32, #tpu.memory_space<vmem>>
      %dma_wait3A_29 = arith.constant 0 : i32
      %dma_wait3A_30 = arith.constant 0 : i32
      %dma_wait3A_31 = tpu.memref_slice %arg4[%dma_wait3A_29, %dma_wait3A_30] : memref<100000x128xf32, #tpu.memory_space<hbm>> -> memref<100000x128xf32, #tpu.memory_space<hbm>>
      tpu.wait_indirect_dma semaphore(%arg8 : memref<!tpu.dma_semaphore, #tpu.memory_space<semaphore_mem>>) src(%dma_wait3A_31 : memref<100000x128xf32, #tpu.memory_space<hbm>>) dst(%arg7 : memref<100x128xf32, #tpu.memory_space<vmem>>)
      "tpu.region"() ({
        %run_scoped3A = tpu.sem_alloc : memref<!tpu.dma_semaphore, #tpu.memory_space<semaphore_mem>>
        %dma_start3A_33 = arith.constant 0 : i32
        %dma_start3A_34 = tpu.memref_slice %arg10[%scan3A_20, %dma_start3A_33] : memref<64x100xi32, #tpu.memory_space<vmem>> -> memref<1x100xi32, #tpu.memory_space<vmem>>
        %dma_start3A_35 = tpu.memref_squeeze %dma_start3A_34 : memref<1x100xi32, #tpu.memory_space<vmem>> -> memref<100xi32, #tpu.memory_space<vmem>>
        %dma_start3A_36 = arith.constant 0 : i32
        %dma_start3A_37 = arith.constant 0 : i32
        %dma_start3A_38 = tpu.memref_slice %arg6[%dma_start3A_36, %dma_start3A_37] : memref<2048x128xf32, #tpu.memory_space<vmem_shared>> -> memref<2048x128xf32, #tpu.memory_space<vmem_shared>>
        tpu.enqueue_indirect_dma source(%arg7 : memref<100x128xf32, #tpu.memory_space<vmem>>) target(%dma_start3A_38 : memref<2048x128xf32, #tpu.memory_space<vmem_shared>>) offsets(%dma_start3A_35 : memref<100xi32, #tpu.memory_space<vmem>>) semaphore(%run_scoped3A : memref<!tpu.dma_semaphore, #tpu.memory_space<semaphore_mem>>) {add = true}
        %dma_wait3A_39 = arith.constant 0 : i32
        %dma_wait3A_40 = tpu.memref_slice %arg10[%scan3A_20, %dma_wait3A_39] : memref<64x100xi32, #tpu.memory_space<vmem>> -> memref<1x100xi32, #tpu.memory_space<vmem>>
        %dma_wait3A_41 = tpu.memref_squeeze %dma_wait3A_40 : memref<1x100xi32, #tpu.memory_space<vmem>> -> memref<100xi32, #tpu.memory_space<vmem>>
        %dma_wait3A_42 = arith.constant 0 : i32
        %dma_wait3A_43 = arith.constant 0 : i32
        %dma_wait3A_44 = tpu.memref_slice %arg6[%dma_wait3A_42, %dma_wait3A_43] : memref<2048x128xf32, #tpu.memory_space<vmem_shared>> -> memref<2048x128xf32, #tpu.memory_space<vmem_shared>>
        tpu.wait_indirect_dma semaphore(%run_scoped3A : memref<!tpu.dma_semaphore, #tpu.memory_space<semaphore_mem>>) src(%arg7 : memref<100x128xf32, #tpu.memory_space<vmem>>) dst(%dma_wait3A_44 : memref<2048x128xf32, #tpu.memory_space<vmem_shared>>)
        tpu.yield
      }) : () -> ()
      %scan3A_32 = arith.constant 0 : i32
      scf.yield %scan3A_32 : i32
    }
    %scan3A_15 = arith.constant 64 : i32
    %mul3A_16 = arith.constant 128 : i32
    %mul3A_17 = arith.muli %arg1, %mul3A_16 : i32
    %mul3A_18 = arith.constant 128 : i32
    %mul3A_19 = arith.muli %add3A, %mul3A_18 : i32
    "tpu.region"() ({
      %run_scoped3A = tpu.sem_alloc : memref<!tpu.dma_semaphore, #tpu.memory_space<semaphore_mem>>
      %dma_start3A = arith.constant 0 : i32
      %dma_start3A_20 = tpu.memref_slice %arg5[%mul3A_19, %dma_start3A] : memref<4096x128xf32, #tpu.memory_space<hbm>> -> memref<128x128xf32, #tpu.memory_space<hbm>>
      %dma_start3A_21 = arith.constant 0 : i32
      %dma_start3A_22 = tpu.memref_slice %arg6[%mul3A_17, %dma_start3A_21] : memref<2048x128xf32, #tpu.memory_space<vmem_shared>> -> memref<128x128xf32, #tpu.memory_space<vmem_shared>>
      tpu.enqueue_dma source(%dma_start3A_22 : memref<128x128xf32, #tpu.memory_space<vmem_shared>>) target(%dma_start3A_20 : memref<128x128xf32, #tpu.memory_space<hbm>>) target_semaphore(%run_scoped3A : memref<!tpu.dma_semaphore, #tpu.memory_space<semaphore_mem>>)
      %dma_wait3A = arith.constant 0 : i32
      %dma_wait3A_23 = tpu.memref_slice %arg5[%mul3A_19, %dma_wait3A] : memref<4096x128xf32, #tpu.memory_space<hbm>> -> memref<128x128xf32, #tpu.memory_space<hbm>>
      %dma_wait3A_24 = arith.constant 0 : i32
      %dma_wait3A_25 = tpu.memref_slice %arg6[%mul3A_17, %dma_wait3A_24] : memref<2048x128xf32, #tpu.memory_space<vmem_shared>> -> memref<128x128xf32, #tpu.memory_space<vmem_shared>>
      tpu.wait_dma2 semaphore(%run_scoped3A : memref<!tpu.dma_semaphore, #tpu.memory_space<semaphore_mem>>) src(%dma_wait3A_25 : memref<128x128xf32, #tpu.memory_space<vmem_shared>>) dst(%dma_wait3A_23 : memref<128x128xf32, #tpu.memory_space<hbm>>)
      tpu.yield
    }) : () -> ()
    return
  }
}

module attributes {stable_mosaic.version = 14 : i64} {
  func.func @_mlp_body(%arg0: memref<4096x128xf32, #tpu.memory_space<vmem>>, %arg1: memref<128x64xf32, #tpu.memory_space<vmem>>, %arg2: memref<1x64xf32, #tpu.memory_space<vmem>>, %arg3: memref<64x10xf32, #tpu.memory_space<vmem>>, %arg4: memref<1x10xf32, #tpu.memory_space<vmem>>, %arg5: memref<4096x10xf32, #tpu.memory_space<vmem>>) attributes {dimension_semantics = [], scalar_prefetch = 0 : i64, scratch_operands = 0 : i64, tpu.core_type = #tpu.core_type<tc>} {
    %get3A = arith.constant 0 : index
    %get3A_0 = arith.constant 0 : index
    %get3A_1 = vector.load %arg0[%get3A, %get3A_0] : memref<4096x128xf32, #tpu.memory_space<vmem>>, vector<4096x128xf32>
    %get3A_2 = arith.constant 0 : index
    %get3A_3 = arith.constant 0 : index
    %get3A_4 = vector.load %arg1[%get3A_2, %get3A_3] : memref<128x64xf32, #tpu.memory_space<vmem>>, vector<128x64xf32>
    %dot_general3A = arith.constant dense<0.000000e+00> : vector<4096x64xf32>
    %dot_general3A_5 = tpu.matmul %get3A_1, %get3A_4, %dot_general3A {dimension_numbers = #tpu.dot_dimension_numbers<[1], [0], [0], [1], [0, 0, 1, 1], [], []>, transpose_lhs_hint = false} : vector<4096x128xf32>, vector<128x64xf32>, vector<4096x64xf32> -> vector<4096x64xf32>
    %get3A_6 = arith.constant 0 : index
    %get3A_7 = arith.constant 0 : index
    %get3A_8 = vector.load %arg2[%get3A_6, %get3A_7] : memref<1x64xf32, #tpu.memory_space<vmem>>, vector<1x64xf32>
    %add3A = vector.broadcast %get3A_8 : vector<1x64xf32> to vector<4096x64xf32>
    %add3A_9 = arith.addf %dot_general3A_5, %add3A : vector<4096x64xf32>
    %max3A = arith.constant 0.000000e+00 : f32
    %max3A_10 = vector.broadcast %max3A : f32 to vector<4096x64xf32>
    %max3A_11 = arith.maximumf %add3A_9, %max3A_10 : vector<4096x64xf32>
    %get3A_12 = arith.constant 0 : index
    %get3A_13 = arith.constant 0 : index
    %get3A_14 = vector.load %arg3[%get3A_12, %get3A_13] : memref<64x10xf32, #tpu.memory_space<vmem>>, vector<64x10xf32>
    %dot_general3A_15 = arith.constant dense<0.000000e+00> : vector<4096x10xf32>
    %dot_general3A_16 = tpu.matmul %max3A_11, %get3A_14, %dot_general3A_15 {dimension_numbers = #tpu.dot_dimension_numbers<[1], [0], [0], [1], [0, 0, 1, 1], [], []>, transpose_lhs_hint = false} : vector<4096x64xf32>, vector<64x10xf32>, vector<4096x10xf32> -> vector<4096x10xf32>
    %get3A_17 = arith.constant 0 : index
    %get3A_18 = arith.constant 0 : index
    %get3A_19 = vector.load %arg4[%get3A_17, %get3A_18] : memref<1x10xf32, #tpu.memory_space<vmem>>, vector<1x10xf32>
    %add3A_20 = vector.broadcast %get3A_19 : vector<1x10xf32> to vector<4096x10xf32>
    %add3A_21 = arith.addf %dot_general3A_16, %add3A_20 : vector<4096x10xf32>
    %swap3A = arith.constant 0 : index
    %swap3A_22 = arith.constant 0 : index
    %swap3A_23 = vector.load %arg5[%swap3A, %swap3A_22] : memref<4096x10xf32, #tpu.memory_space<vmem>>, vector<4096x10xf32>
    tpu.vector_store %arg5[%swap3A, %swap3A_22], %add3A_21 {strides = array<i32>} : memref<4096x10xf32, #tpu.memory_space<vmem>>, vector<4096x10xf32>,
    return
  }
}

</mosaic_0001>

<sc_bundles>
// kernel: kernel.4.cloned.1.call-start
scs
__scs_entry_jumppad:
0x0: {  	(pc) =	sbr.rel $0x88, $3  }
0x1: {  	(tag) =	ssettag $0x0;
	lr =	simm.s32 $0x1  }
0x2: {  	[smem:$0x3F9B] =	sst lr;
	_ =	strace $0xD0000000  }
0x3: {  	_ = 	snop  }
0x4: {  	_ = 	snop  }
0x5: {  	_ = 	snop  }
0x6: {  	_ = 	snop  }
0x7: {  	_ = 	snop  }
__scs_overlays_trampoline_lowered:
0x8: {  	[smem:$0x3FAA] =	sst s0  }
0x9: {  	[smem:$0x3FAB] =	sst s1  }
0xa: {  	[smem:$0x3FAC] =	sst s2  }
0xb: {  	[smem:$0x3FAD] =	sst s3  }
0xc: {  	[smem:$0x3FAE] =	sst s4  }
0xd: {  	[smem:$0x3FAF] =	sst s5  }
0xe: {  	[smem:$0x3FB0] =	sst s6  }
0xf: {  	[smem:$0x3FB1] =	sst s7  }
0x10: {  	[smem:$0x3FB2] =	sst s8  }
0x11: {  	[smem:$0x3FB3] =	sst s9;
	s0 =	simm.s32 @!p0 $0x0  }
0x12: {  	s1 =	sld [smem:$0x3F99];
	s0 =	simm.s32 @p0 $0x1  }
0x13: {  	[smem:$0x3FB4] =	sst s0;
	s0 =	simm.s32 @!p1 $0x0  }
0x14: {  	s2 =	sld [smem:$0x3F98];
	s0 =	simm.s32 @p1 $0x1  }
0x15: {  	[smem:$0x3FB5] =	sst s0;
	s0 =	simm.s32 @!p2 $0x0  }
0x16: {  	s3 =	sld [smem:$0x3FDB];
	s0 =	simm.s32 @p2 $0x1  }
0x17: {  	s4 =	simm.s32 $0x1BF5;
	[smem:$0x3FB7] =	sst s0  }
0x18: {  	s0 =	sld [smem:$0x3F9A];
	_ =	swait.ge [sflag:s4], $0x0  }
0x19: {  	s7 =	sld [smem:$0x3F9B]  }
0x1a: {  	s8 =	sadd.s32 $0xFFFFE003, lr  }
0x1b: {  	s9 =	sadd.s32 $0xFFFFFEF7, lr;
	s5 =	simm.s32 $0xFFFFFFFF;
	p2 =	slt.u32 s8, $0xFFFFF086  }
0x1c: {  	p1 =	slt.u32 s9, $0xF7A;
	s5 =	simm.s32 @!p2 $0x0  }
0x1d: {  	s5 =	simm.s32 @p1 $0x1;
	p0 =	seq.s32 s7, s2  }
0x1e: {  	s7 =	smul.u32 @!p0 $0xF7A, s2;
	p2 =	seq.s32 @!p0 s5, $0x0  }
0x1f: {  	s9 =	smul.u32 $0xF7A, s1;
	s8 =	simm.s32 @!p0 $0x1BF5;
	p2 =	por !p2, p0  }
0x20: {  	[sflag:s8] =	ssyncset.s32 @!p0 $0xFFFFF086;
	s6 =	sadd.s32 @!p0 s3, s7;
	s7 =	simm.s32 @!p0 $0x108  }
0x21: {  	s3 =	sadd.s32 s3, s9;
	s6 =	sadd.s32 @!p0 $0x88, s6;
	s7 =	simm.s32 @p2 $0x1082  }
0x22: {  	[simem:s7], [sflag:s8] =	dma.local @!p0 [hbm:s6], $0xF7A  }
0x23: {  	s9 =	sor.u32 $0xD0000000, s2;
	s6 =	simm.s32 $0x108;
	_ =	swait.ge @!p0 [sflag:s8], $0x0  }
0x24: {  	s3 =	sadd.s32 $0x88, s3;
	s6 =	simm.s32 @!p1 $0x1082;
	[sflag:s4] =	ssyncset.s32 $0xFFFFF086  }
0x25: {  	[simem:s6], [sflag:s4] =	dma.local [hbm:s3], $0xF7A  }
0x26: {  	[smem:$0x3F9B] =	sst s1;
	(tag) =	ssettag s2;
	_ =	strace s9  }
0x27: {  	s1 =	sld [smem:$0x3FAB]  }
0x28: {  	s2 =	sld [smem:$0x3FAC]  }
0x29: {  	s4 =	sld [smem:$0x3FAE]  }
0x2a: {  	p0 =	seq.s32 s5, $0x0;
	s5 =	sld [smem:$0x3FAF]  }
0x2b: {  	s6 =	sld [smem:$0x3FB0]  }
0x2c: {  	s7 =	sld [smem:$0x3FB1]  }
0x2d: {  	s3 =	simm.s32 $0x108;
	s8 =	sld [smem:$0x3FB2]  }
0x2e: {  	s3 =	simm.s32 @!p0 $0x1082;
	s9 =	sld [smem:$0x3FB3]  }
0x2f: {  	lr =	sadd.s32 s0, s3;
	s0 =	sld [smem:$0x3FAA]  }
0x30: {  	s3 =	sld [smem:$0x3FAD]  }
0x31: {  	[smem:$0x3FB6] =	sst s10  }
0x32: {  	s10 =	sld [smem:$0x3FB4];
	_ =	sdelay $0x3  }
0x33: {  	p0 =	seq.s32 s10, $0x1;
	s10 =	sld [smem:$0x3FB6];
	_ =	sdelay $0x3  }
0x34: {  	[smem:$0x3FB6] =	sst s10  }
0x35: {  	s10 =	sld [smem:$0x3FB5];
	_ =	sdelay $0x3  }
0x36: {  	p1 =	seq.s32 s10, $0x1;
	s10 =	sld [smem:$0x3FB6];
	_ =	sdelay $0x3  }
0x37: {  	[smem:$0x3FB6] =	sst s10  }
0x38: {  	s10 =	sld [smem:$0x3FB7]  }
0x39: {  	_ = 	snop;
	(pc) =	sbr.ind lr, $3  }
0x3a: {  	_ = 	snop  }
0x3b: {  	_ = 	snop  }
0x3c: {  	p2 =	seq.s32 s10, $0x1;
	s10 =	sld [smem:$0x3FB6]  }
0x3d: {  	_ =	shalt  }
0x3e: {  	_ =	shalt  }
0x3f: {  	_ =	shalt  }
0x40: {  	_ =	shalt  }
0x41: {  	_ =	shalt  }
0x42: {  	_ =	shalt  }
0x43: {  	_ =	shalt  }
0x44: {  	_ =	shalt  }
0x45: {  	_ =	shalt  }
0x46: {  	_ =	shalt  }
0x47: {  	_ =	shalt  }
0x48: {  	_ =	shalt  }
0x49: {  	_ =	shalt  }
0x4a: {  	_ =	shalt  }
0x4b: {  	_ =	shalt  }
0x4c: {  	_ =	shalt  }
0x4d: {  	_ =	shalt  }
0x4e: {  	_ =	shalt  }
0x4f: {  	_ =	shalt  }
0x50: {  	_ =	shalt  }
0x51: {  	_ =	shalt  }
0x52: {  	_ =	shalt  }
0x53: {  	_ =	shalt  }
0x54: {  	_ =	shalt  }
0x55: {  	_ =	shalt  }
0x56: {  	_ =	shalt  }
0x57: {  	_ =	shalt  }
0x58: {  	_ =	shalt  }
0x59: {  	_ =	shalt  }
0x5a: {  	_ =	shalt  }
0x5b: {  	_ =	shalt  }
0x5c: {  	_ =	shalt  }
0x5d: {  	_ =	shalt  }
0x5e: {  	_ =	shalt  }
0x5f: {  	_ =	shalt  }
0x60: {  	_ =	shalt  }
0x61: {  	_ =	shalt  }
0x62: {  	_ =	shalt  }
0x63: {  	_ =	shalt  }
0x64: {  	_ =	shalt  }
0x65: {  	_ =	shalt  }
0x66: {  	_ =	shalt  }
0x67: {  	_ =	shalt  }
0x68: {  	_ =	shalt  }
0x69: {  	_ =	shalt  }
0x6a: {  	_ =	shalt  }
0x6b: {  	_ =	shalt  }
0x6c: {  	_ =	shalt  }
0x6d: {  	_ =	shalt  }
0x6e: {  	_ =	shalt  }
0x6f: {  	_ =	shalt  }
0x70: {  	_ =	shalt  }
0x71: {  	_ =	shalt  }
0x72: {  	_ =	shalt  }
0x73: {  	_ =	shalt  }
0x74: {  	_ =	shalt  }
0x75: {  	_ =	shalt  }
0x76: {  	_ =	shalt  }
0x77: {  	_ =	shalt  }
0x78: {  	_ =	shalt  }
0x79: {  	_ =	shalt  }
0x7a: {  	_ =	shalt  }
0x7b: {  	_ =	shalt  }
0x7c: {  	_ =	shalt  }
0x7d: {  	_ =	shalt  }
0x7e: {  	_ =	shalt  }
0x7f: {  	_ =	shalt  }
0x80: {  	_ =	shalt  }
0x81: {  	_ =	shalt  }
0x82: {  	_ =	shalt  }
0x83: {  	_ =	shalt  }
0x84: {  	_ =	shalt  }
0x85: {  	_ =	shalt  }
0x86: {  	_ =	shalt  }
0x87: {  	_ =	shalt  }
.Lfunc_end0:
.L_simem_size_0:
called_computation_lowered:
.L_overlay_start_0:
0x88: {  	s2 =	sld [smem:$0x3FD9]  }
0x89: {  	s3 =	sld [smem:$0x3FFE];
	_ =	sdelay $0x1  }
0x8a: {  	s1 =	srdreg.scid  }
0x8b: {  	s0 =	sand.u32 $0x1, s1  }
0x8c: {  	s17 =	sshll.u32 s0, $0xA;
	s2 =	sadd.s32 s3, s2  }
0x8d: {  	s2 =	sadd.s32 s2, s17  }
0x8e: {  	[smem:$0x3FC2] =	sst s2  }
0x8f: {  	_ = 	snop  }
0x90: {  	s2 =	sld [smem:$0x3FC8];
	(tm) =	ssettm $0x1  }
0x91: {  	s18 =	sld [smem:$0x3FFB];
	_ =	sdelay $0x3  }
0x92: {  	_ =	strace s18  }
0x93: {  	s3 =	sld [smem:$0x3FFC];
	_ =	sdelay $0x3  }
0x94: {  	_ =	strace s3  }
0x95: {  	s3 =	sld [smem:$0x3FFD];
	_ =	sdelay $0x3  }
0x96: {  	_ =	strace s3  }
0x97: {  	_ =	strace $0x8FFFFFFF  }
0x98: {  	s19 =	sld [smem:$0x3FDB];
	_ =	sdelay $0x1  }
0x99: {  	s4 =	simm.s32 $_scs_section_size  }
0x9a: {  	s5 =	simm.s32 $_size__tile_overlayer_lowered;
	s6 =	simm.s32 $_tile_overlayer_lowered  }
0x9b: {  	s22 =	simm.s32 $0x1BFF;
	s21 =	sshll.u32 s6, $0x1;
	s3 =	sadd.s32 s4, s19  }
0x9c: {  	s7 =	simm.s32 $0x0;
	s20 =	sshll.u32 s5, $0x1;
	s5 =	sadd.s32 s21, s3  }
0x9d: {  	[timem:s7], [sflag:s22] =	dma.local [hbm:s5], s20  }
0x9e: {  	_ =	swait.ge [sflag:s22], s20  }
0x9f: {  	s4 =	ssub.s32 $0x0, s20;
	[sflag:s22] =	ssyncset.done $0x0  }
0xa0: {  	[sflag:s22] =	ssyncadd.s32 s4;
	_ =	sdelay $0x1  }
0xa1: {  	s23 =	simm.s32 $0x1B8B  }
0xa2: {  	_ =	swait.ge [sflag:s23], $0x1  }
0xa3: {  	[sflag:s23] =	ssyncset.done $0x0  }
0xa4: {  	s25 =	simm.s32 $0x1B8E;
	s24 =	sld [smem:$0x3FFE];
	[sflag:s23] =	ssyncadd.s32 $0xFFFFFFFF  }
0xa5: {  	s26 =	simm.s32 $execute0_lowered;
	[smem:$0x3FD2] =	sst s25  }
0xa6: {  	s5 =	sshll.u32 s26, $0x1;
	_ =	strace $0x80000046;
	[dreg:$0x1] =	wrdreg $0xFFFFFFFF  }
0xa7: {  	s28 =	simm.s32 $_size_execute0_lowered;
	s3 =	sadd.s32 s3, s5;
	[dreg:$0x0] =	wrdreg $0x0  }
0xa8: {  	s5 =	sshll.u32 s28, $0x1;
	[dreg:$0x2] =	wrdreg s3  }
0xa9: {  	[dreg:$0x3] =	wrdreg s5  }
0xaa: {  	[dreg:$0x4] =	wrdreg $0xC0  }
0xab: {  	_ =	task [dreg:s7], $0x5FFFF  }
0xac: {  	[dreg:$0x1] =	wrdreg $0xFFFFFFFF  }
0xad: {  	[dreg:$0x0] =	wrdreg $0x60  }
0xae: {  	[dreg:$0x2] =	wrdreg s24  }
0xaf: {  	[dreg:$0x3] =	wrdreg s2  }
0xb0: {  	[dreg:$0x4] =	wrdreg $0x0  }
0xb1: {  	[dreg:$0x5] =	wrdreg $0x9  }
0xb2: {  	_ =	task.clear_ibuf [dreg:s7], $0x6FFFF;
	_ =	strace $0x90000046  }
0xb3: {  	s29 =	simm.s32 $0x9;
	_ =	strace $0x80000048  }
0xb4: {  	_ =	swait.ge [sflag:s29], $0x1  }
0xb5: {  	[sflag:s29] =	ssyncadd.s32 $0xFFFFFFFF  }
0xb6: {  	_ =	strace $0x90000048  }
0xb7: {  	_ =	sfence  }
0xb8: {  	s30 =	sld [smem:$0x0];
	_ =	sdelay $0x2  }
0xb9: {  	s31 =	sshll.u32 s1, $0xD;
	s1 =	sshrl.u32 s1, $0x2  }
0xba: {  	s3 =	sand.u32 $0x4000, s31;
	s1 =	sadd.s32 s1, s30  }
0xbb: {  	s0 =	sor.u32 s3, s0;
	s1 =	sshll.u32 s1, $0x11  }
0xbc: {  	s0 =	sor.u32 s1, s0  }
0xbd: {  	s0 =	sadd.s32 $0x8F2B, s0  }
0xbe: {  	[sflag:s0] =	ssyncadd.remote.s32 $0x1  }
0xbf: {  	_ =	sfence.sel $0xFFFF  }
0xc0: {  	[dreg:$0x0] =	wrdreg $0xFFFFFFFF;
	(pc) =	sbr.abs _section_cstart, $3  }
0xc1: {  	[dreg:$0x1] =	wrdreg $0xFFFFFFFF  }
0xc2: {  	_ =	task.clear_ibuf [dreg:s7], $0x2FFFF;
	_ =	strace $0x9FFFFFFF  }
0xc3: {  	(tm) =	ssettm $0x7FFFFFFF  }
tec
execute0_lowered:
.L_overlay_start_1:
0x0: {  	(tag) =	ssettag $0x1  }
0x1: {  	s5 =	rddreg [dreg:$0x0]  }
0x2: {  	s1 =	rddreg [dreg:$0x1]  }
0x3: {  	s2 =	rddreg [dreg:$0x2]  }
0x4: {  	s3 =	srdreg.scid;
	s0 =	rddreg [dreg:$0x3];
	s4 =	simm.s32 $0x0  }
0x5: {  	s11 =	simm.s32 $0x2;
	s12 =	simm.s32 $0x9400;
	s13 =	simm.s32 $0xB400  }
0x6: {  	s14 =	simm.s32 $0x64;
	s15 =	simm.s32 $0x4000;
	s16 =	simm.s32 $0x1  }
0x7: {  	s19 =	simm.s32 $0x0;
	s6 =	sand.u32 $0x1, s3;
	[smem:$0x7FF] =	sst s4  }
0x8: {  	s3 =	stileid.u32;
	s7 =	sshll.u32 s6, $0x4;
	_ =	strace $0x80000047  }
0x9: {  	s6 =	ssub.s32 $0x2, s6;
	s31 =	sshll.u32 s3, $0xE;
	s17 =	sshll.u32 s3, $0x6  }
0xa: {  	s7 =	sor.u32 s3, s7;
	s30 =	sshrl.u32 s6, $0x1;
	s17 =	sor.u32 $0x1C02, s17  }
0xb: {  	s8 =	sshll.u32 s7, $0xA;
	s7 =	sshll.u32 s7, $0xB;
	s10 =	ssub.s32 s6, s30  }
0xc: {  	s8 =	sadd.s32 s8, s5;
	s9 =	sadd.s32 s7, s5;
	s7 =	sadd.s32 s31, s2  }
0xd: {  	s5 =	sadd.s32 $0xE00, s8;
	s6 =	sadd.s32 $0x8E00, s8;
	s8 =	sadd.s32 $0x10E00, s9  }
0xe: {  	v0 =	vimm.f32 $0.0e+00;
	s9 =	smax.u32 s10, $0x1;
	s10 =	simm.s32 $0x7400;
	s18 =	sshrl.u32 s7, $0x3  }
.LBB2_1:
0xf: {  	[tilespmem:s10], [sflag:$0x2] =	stream.linear.gather [hbm4b:s5+s4], $0x2000, $0x38;
	[tilespmem:$0xF400] =	vst v63  }
0x10: {  	_ =	swait.ge [sflag:s11], $0x2000  }
0x11: {  	[sflag:s11] =	ssyncset.done $0x0  }
0x12: {  	[sflag:s11] =	ssyncadd.s32 $0xFFFFE000  }
0x13: {  	[tilespmem:s12], [sflag:$0x2] =	stream.linear.gather [hbm4b:s6+s4], $0x2000, $0x38;
	[tilespmem:$0xF400] =	vst v63  }
0x14: {  	_ =	swait.ge [sflag:s11], $0x2000  }
0x15: {  	[sflag:s11] =	ssyncset.done $0x0  }
0x16: {  	s20 =	simm.s32 $0x0;
	s21 =	simm.s32 $0x200;
	[sflag:s11] =	ssyncadd.s32 $0xFFFFE000  }
.LBB2_2:
0x17: {  	p0 =	sne.s32 s21, $0xFE00;
	[tilespmem:s20+$0xB470] =	vst v0  }
0x18: {  	[tilespmem:s20+$0xB400] =	vst v0  }
0x19: {  	[tilespmem:s20+$0xB410] =	vst v0  }
.Ltmp0:
0x1a: {  	[tilespmem:s20+$0xB420] =	vst v0;
	(pc) =	sbr.rel @p0 .LBB2_2-.Ltmp0, $4  }
0x1b: {  	[tilespmem:s20+$0xB430] =	vst v0  }
0x1c: {  	[tilespmem:s20+$0xB440] =	vst v0  }
0x1d: {  	[tilespmem:s20+$0xB450] =	vst v0  }
0x1e: {  	[tilespmem:s20+$0xB460] =	vst v0;
	s20 =	sshra.s32 s21, $0x2;
	s21 =	sadd.s32 $0x200, s21  }
0x1f: {  	[tilespmem:s20+$0xB470] =	vst v0  }
0x20: {  	[tilespmem:s20+$0xB400] =	vst v0  }
0x21: {  	[tilespmem:s20+$0xB410] =	vst v0  }
0x22: {  	[tilespmem:s20+$0xB420] =	vst v0  }
0x23: {  	[tilespmem:s20+$0xB430] =	vst v0  }
0x24: {  	[tilespmem:s20+$0xB440] =	vst v0  }
0x25: {  	[tilespmem:s20+$0xB450] =	vst v0  }
0x26: {  	[tilespmem:s20+$0xB460] =	vst v0  }
0x27: {  	[spmem:s7] =	stream.linear.scatter [tilespmem:s13], [sflag:$0x2], $0x4000, $0x38;
	[tilespmem:$0xF400] =	vst v63  }
0x28: {  	_ =	swait.ge [sflag:s11], $0x4000  }
0x29: {  	[sflag:s11] =	ssyncset.done $0x0  }
0x2a: {  	s30 =	simm.s32 $0x7400;
	[sflag:s11] =	ssyncadd.s32 $0xFFFFC000  }
0x2b: {  	[tilespmem:s15], [sflag:$0x1] =	stream.indirect.gather [hbm4b:s1+s14], $0x80, s30, s14, $0xb8;
	[tilespmem:$0xF400] =	vst v63  }
0x2c: {  	_ =	swait.ge [sflag:s16], $0x3200  }
0x2d: {  	[sflag:s16] =	ssyncset.done $0x0  }
0x2e: {  	s31 =	simm.s32 $0x9400;
	[sflag:s16] =	ssyncadd.s32 $0xFFFFCE00  }
0x2f: {  	[spmem:s2] =	stream.indirect.scatter.add.f32 [tilespmem:s15], [sflag:$0x2], $0x80, s31, s14, $0xb8;
	[tilespmem:$0xF400] =	vst v63  }
0x30: {  	_ =	swait.ge [sflag:s11], $0x3200  }
0x31: {  	s21 =	simm.s32 $0x400;
	s20 =	simm.s32 $0x80;
	[sflag:s11] =	ssyncset.done $0x0  }
.LBB2_4:
0x32: {  	s22 =	sadd.s32 $0x7400, s20  }
0x33: {  	[sflag:s11] =	ssyncadd.s32 $0xFFFFCE00;
	s23 =	smov.u32 s21;
	s24 =	sadd.s32 $0x200, s21  }
0x34: {  	[tilespmem:s15], [sflag:$0x1] =	stream.indirect.gather [hbm4b:s1+s14], $0x80, s22, s14, $0xb8;
	[tilespmem:$0xF400] =	vst v63  }
0x35: {  	p0 =	sne.s32 s21, $0x7E00;
	_ =	swait.ge [sflag:s16], $0x3200  }
.Ltmp1:
0x36: {  	[sflag:s16] =	ssyncset.done $0x0;
	(pc) =	sbr.rel @p0 .LBB2_4-.Ltmp1, $4  }
0x37: {  	s20 =	sadd.s32 $0x9400, s20;
	[sflag:s16] =	ssyncadd.s32 $0xFFFFCE00  }
0x38: {  	[spmem:s2] =	stream.indirect.scatter.add.f32 [tilespmem:s15], [sflag:$0x2], $0x80, s20, s14, $0xb8;
	[tilespmem:$0xF400] =	vst v63  }
0x39: {  	_ =	swait.ge [sflag:s11], $0x3200  }
0x3a: {  	s21 =	smov.u32 s24;
	s20 =	sshra.s32 s23, $0x2;
	[sflag:s11] =	ssyncset.done $0x0  }
0x3b: {  	s21 =	sadd.s32 $0x7400, s20;
	[sflag:s11] =	ssyncadd.s32 $0xFFFFCE00  }
0x3c: {  	[tilespmem:s15], [sflag:$0x1] =	stream.indirect.gather [hbm4b:s1+s14], $0x80, s21, s14, $0xb8;
	[tilespmem:$0xF400] =	vst v63  }
0x3d: {  	_ =	swait.ge [sflag:s16], $0x3200  }
0x3e: {  	[sflag:s16] =	ssyncset.done $0x0  }
0x3f: {  	s31 =	sadd.s32 $0x9400, s20;
	[sflag:s16] =	ssyncadd.s32 $0xFFFFCE00  }
0x40: {  	[spmem:s2] =	stream.indirect.scatter.add.f32 [tilespmem:s15], [sflag:$0x2], $0x80, s31, s14, $0xb8;
	[tilespmem:$0xF400] =	vst v63  }
0x41: {  	s19 =	sadd.s32 $0x1, s19;
	_ =	swait.ge [sflag:s11], $0x3200  }
0x42: {  	p0 =	sne.s32 s19, s9;
	[sflag:s11] =	ssyncset.done $0x0  }
.Ltmp2:
0x43: {  	[sflag:s11] =	ssyncadd.s32 $0xFFFFCE00;
	(pc) =	sbr.rel @p0 .LBB2_1-.Ltmp2, $4  }
0x44: {  	[hbm:s8], [sflag:s17] =	dma.local [spmem:s18], $0x800  }
0x45: {  	_ =	swait.ge [sflag:s11], $0x800  }
0x46: {  	[sflag:s11] =	ssyncset.done $0x0  }
0x47: {  	[sflag:s11] =	ssyncadd.s32 $0xFFFFF800  }
0x48: {  	_ =	sfence.sel $0x180000  }
0x49: {  	[bflag:$0x0] =	sbarrier.arrive $0xFFFF  }
0x4a: {  	p0 =	sne.s32 s3, $0x0;
	_ =	strace $0x90000047  }
0x4b: {  	s0 =	sadd.s32 @!p0 $0x100000, s0;
	[bflag:$0x2] =	sbarrier.arrive $0xFFFF  }
0x4c: {  	[sflag:s0] =	ssyncadd.tile.s32 @!p0 $0x1;
	_ =	shalt  }
.Lfunc_end2:
_tile_overlayer_lowered:
.L_overlay_start_2:
0x4d: {  	(tag) =	ssettag $0x2  }
0x4e: {  	s0 =	rddreg [dreg:$0x0];
	s2 =	stileid.u32  }
0x4f: {  	s1 =	rddreg [dreg:$0x1];
	p0 =	sne.s32 s2, $0x0  }
0x50: {  	s3 =	rddreg [dreg:$0x2];
	[bflag:$0x3] =	sbarrier.arrive $0xFFFF;
	s2 =	simm.s32 @!p0 $0x1C02  }
0x51: {  	[timem:s3], [sflag:s2] =	dma.local @!p0 [hbm:s0], s1  }
0x52: {  	s0 =	simm.s32 @!p0 $0x2  }
0x53: {  	_ =	swait.ge @!p0 [sflag:s0], s1  }
0x54: {  	s1 =	ssub.s32 @!p0 $0x0, s1;
	[sflag:s0] =	ssyncset.done @!p0 $0x0  }
0x55: {  	[sflag:s0] =	ssyncadd.s32 @!p0 s1  }
0x56: {  	[bflag:$0x3] =	sbarrier.arrive $0xFFFF  }
0x57: {  	_ =	shalt  }

</sc_bundles>
